<compile_context>
chip_gen: v7x
topology: tpu7x:2x2x1
jax: 0.10.2.dev20260603
libtpu: 0.0.44.dev20260713+nightly
codegen_flags: <defaults>
</compile_context>

<pallas_src>
import jax
import jax.numpy as jnp
from jax import lax
from jax.experimental import pallas as pl
from jax.experimental.pallas import tpu as pltpu
from jax.experimental.pallas import tpu_sc as plsc

B = 1024
S = 50
N = 16
D = 128
D2 = D // 2
L = 16
DC = D // L
SN = S * N
SP = 56
RNST = 64
NUM_CLS = 20

CH_S = 5
K = S // CH_S
CH = CH_S * N
PF = K // 2
NSLOT = 2

_INFO = plsc.get_sparse_core_info()
NC = _INFO.num_cores
NS = _INFO.num_subcores
NW = NC * NS
BPW = B // NW
U = BPW * K


def _sc_body(nx_hbm, ewi_hbm, xp_hbm, nemb_hbm, etab_hbm, ntab_hbm, out_hbm,
             nxA, nxB, ewiA, ewiB, x1,
             ewb0, ewb1, ewb2, ewb3, rn_v, nwb_v,
             rows0, rows1, rows2, rows3, y_v,
             sem0, sem1, sem2, sem3, semr, semi):
    wid = lax.axis_index("s") * NC + lax.axis_index("c")
    b0 = wid * BPW

    nx_refs = (nxA, nxB)
    ewi_refs = (ewiA, ewiB)
    ewb_refs = (ewb0, ewb1, ewb2, ewb3)
    rows_refs = (rows0, rows1, rows2, rows3)
    sems = (sem0, sem1, sem2, sem3)

    def chunk_copies(u, cs, p):
        o = (u % K) * CH
        return [
            pltpu.make_async_copy(
                etab_hbm.at[ewi_refs[p].at[pl.ds(o, CH)]],
                ewb_refs[cs], sems[cs]),
            pltpu.make_async_copy(
                nemb_hbm.at[nx_refs[p].at[pl.ds(o, CH)]],
                rows_refs[cs], sems[cs]),
        ]

    def row_copies(u):
        bs = (u // K) % 2
        return [
            pltpu.make_async_copy(
                nemb_hbm.at[x1], rn_v.at[pl.ds(bs * RNST, SP)], semr),
            pltpu.make_async_copy(
                ntab_hbm.at[x1], nwb_v.at[pl.ds(bs * SP, SP)], semr),
        ]

    def idx_copies(bi, p):
        b = b0 + bi
        return [
            pltpu.make_async_copy(nx_hbm.at[b], nx_refs[p], semi),
            pltpu.make_async_copy(ewi_hbm.at[b], ewi_refs[p], semi),
            pltpu.make_async_copy(xp_hbm.at[b], x1, semi),
        ]

    def both_parities(u, fn):
        bs = (u // K) % 2

        @pl.when(bs == 0)
        def _():
            fn(0)

        @pl.when(bs == 1)
        def _():
            fn(1)

    def fire(u, cs):
        return
        k = u % K

        @pl.when(k == 0)
        def _():
            @pl.when(u > 0)
            def _():
                def w(p):
                    for c in idx_copies(u // K, p):
                        c.wait()
                both_parities(u, w)

        @pl.when(k == 1)
        def _():
            for c in row_copies(u):
                c.start()

        def st(p):
            for c in chunk_copies(u, cs, p):
                c.start()
        both_parities(u, st)

        @pl.when(jnp.logical_and(k == PF, u // K + 1 < BPW))
        def _():
            def st2(p):
                for c in idx_copies(u // K + 1, 1 - p):
                    c.start()
            both_parities(u, st2)

    def wait_compute(u, cs, ys):
        return ys
        k = u % K
        bs = (u // K) % 2

        def w(p):
            for c in chunk_copies(u, cs, p):
                c.wait()
        both_parities(u, w)

        @pl.when(k == 0)
        def _():
            for c in row_copies(u):
                c.wait()

        ys = tuple(jnp.where(k == 0, jnp.zeros((L,), jnp.float32), y)
                   for y in ys)
        rows_v = rows_refs[cs]
        ewb_v = ewb_refs[cs]

        def s_body(sl, ys):
            ews = ewb_v[pl.ds(sl * N, N)]
            m = [None] * DC
            for n in range(N):
                r = sl * N + n
                e = jnp.broadcast_to(ews[n], (L,))
                for g in range(DC // 2):
                    w = rows_v[r, pl.ds(g * L, L)]
                    v = plsc.bitcast(w, jnp.bfloat16)
                    a, b = plsc.unpack(v, format=plsc.PackFormat.INTERLEAVED)
                    pa = a * e
                    pb = b * e
                    if n == 0:
                        m[2 * g], m[2 * g + 1] = pa, pb
                    else:
                        m[2 * g] = jnp.maximum(m[2 * g], pa)
                        m[2 * g + 1] = jnp.maximum(m[2 * g + 1], pb)
            s = k * CH_S + sl
            nn = jnp.broadcast_to(nwb_v[pl.ds(bs * SP + s, L)][0], (L,))
            out = []
            for g in range(DC // 2):
                w = rn_v[bs * RNST + s, pl.ds(g * L, L)]
                v = plsc.bitcast(w, jnp.bfloat16)
                ra, rb = plsc.unpack(v, format=plsc.PackFormat.INTERLEAVED)
                for c, rr in ((2 * g, ra), (2 * g + 1, rb)):
                    out.append(ys[c] + (1.0 - nn) * m[c] + nn * rr)
            return tuple(out)

        ys = lax.fori_loop(0, CH_S, s_body, ys)

        @pl.when(k == K - 1)
        def _():
            for c in range(DC):
                y_v[pl.ds(c * L, L)] = ys[c]
            pltpu.sync_copy(y_v, out_hbm.at[b0 + u // K])

        return ys

    for c in idx_copies(0, 0):
        c.start()
    for c in idx_copies(0, 0):
        c.wait()
    for j in range(NSLOT - 1):
        fire(jnp.int32(j), j)

    def up_body(up, ys):
        for j in range(NSLOT):
            u = NSLOT * up + j
            jn = (j + NSLOT - 1) % NSLOT

            @pl.when(u + NSLOT - 1 < U)
            def _():
                fire(u + NSLOT - 1, jn)

            ys = wait_compute(u, j, ys)
        return ys

    lax.fori_loop(0, U // NSLOT, up_body,
                  tuple(jnp.zeros((L,), jnp.float32) for _ in range(DC)))


@jax.jit
def _gnn_sc(nx, ewi, xp, nemb, etab, ntab):
    mesh = plsc.VectorSubcoreMesh(core_axis_name="c", subcore_axis_name="s")
    f = pl.kernel(
        _sc_body,
        out_type=jax.ShapeDtypeStruct((B, D), jnp.float32),
        mesh=mesh,
        compiler_params=pltpu.CompilerParams(needs_layout_passes=False, use_tc_tiling_on_sc=False),
        scratch_types=[
            pltpu.VMEM((SN,), jnp.int32),
            pltpu.VMEM((SN,), jnp.int32),
            pltpu.VMEM((SN,), jnp.int32),
            pltpu.VMEM((SN,), jnp.int32),
            pltpu.VMEM((SP,), jnp.int32),
            pltpu.VMEM((CH,), jnp.float32),
            pltpu.VMEM((CH,), jnp.float32),
            pltpu.VMEM((CH,), jnp.float32),
            pltpu.VMEM((CH,), jnp.float32),
            pltpu.VMEM((2 * RNST, D2), jnp.int32),
            pltpu.VMEM((2 * SP + L,), jnp.float32),
            pltpu.VMEM((CH, D2), jnp.int32),
            pltpu.VMEM((CH, D2), jnp.int32),
            pltpu.VMEM((CH, D2), jnp.int32),
            pltpu.VMEM((CH, D2), jnp.int32),
            pltpu.VMEM((D,), jnp.float32),
            pltpu.SemaphoreType.DMA,
            pltpu.SemaphoreType.DMA,
            pltpu.SemaphoreType.DMA,
            pltpu.SemaphoreType.DMA,
            pltpu.SemaphoreType.DMA,
            pltpu.SemaphoreType.DMA,
        ],
    )
    return f(nx, ewi, xp, nemb, etab, ntab)


def _fc_body(y_ref, w_ref, b_ref, o_ref):
    y = y_ref[...]
    logits = lax.dot_general(y, w_ref[...], (((1,), (1,)), ((), ())),
                             preferred_element_type=jnp.float32)
    logits = logits + b_ref[...][None, :]
    logits = jnp.maximum(logits, 0.0)
    mx = jnp.max(logits, axis=1, keepdims=True)
    lse = jnp.log(jnp.sum(jnp.exp(logits - mx), axis=1, keepdims=True)) + mx
    o_ref[...] = logits - lse


@jax.jit
def _fc_head(y, fc_W, fc_b):
    return pl.pallas_call(
        _fc_body,
        out_shape=jax.ShapeDtypeStruct((B, NUM_CLS), jnp.float32),
    )(y, fc_W, fc_b)


def kernel(X, NX, EW, node_emb, edge_w, node_w, fc_W, fc_b):
    nx = NX.astype(jnp.int32).reshape(B, SN)
    ewi = EW.astype(jnp.int32).reshape(B, SN)
    xp = jnp.pad(X.astype(jnp.int32), ((0, 0), (0, SP - S)))
    etab = edge_w.reshape(-1)
    ntab = node_w.reshape(-1)
    nembbf = (node_emb.reshape(-1, DC // 2, 2, L)
              .transpose(0, 1, 3, 2)
              .reshape(-1, D2, 2)
              .astype(jnp.bfloat16))
    nembi32 = lax.bitcast_convert_type(nembbf, jnp.int32)
    y = _gnn_sc(nx, ewi, xp, nembi32, etab, ntab)
    return _fc_head(y, fc_W, fc_b)

# --- scband reference (transcript-rebuilt; emitter-appended) ---
"""Pipeline reference for scband-gnnmodel-84567906058440 (READ-ONLY COPY).

The authoritative reference and input builder live on the scoring server;
editing this copy changes nothing except your own understanding.
"""

import jax, jax.numpy as jnp
import numpy as np

NUM_NODE = 10000
EMBED_DIM = 128
NUM_CLS = 20
EDGE_VOCAB = (NUM_NODE - 1) * (NUM_NODE - 1) + 1  # 99980002


def setup_inputs(seed: int = 0) -> dict:
    key = jax.random.key(seed)
    k1, k2, k3, k4, k5, k6, k7, k8 = jax.random.split(key, 8)
    B, S, N = 1024, 50, 16
    X = jax.random.randint(k1, (B, S), 0, NUM_NODE, dtype=jnp.int64 if jax.config.jax_enable_x64 else jnp.int32)
    NX = jax.random.randint(k2, (B, S, N), 0, NUM_NODE, dtype=jnp.int64 if jax.config.jax_enable_x64 else jnp.int32)
    EW = jax.random.randint(k3, (B, S, N), 0, EDGE_VOCAB, dtype=jnp.int64 if jax.config.jax_enable_x64 else jnp.int32)
    # parameters (xavier-ish scales); padding_idx=0 rows zeroed
    node_emb = jax.random.normal(k4, (NUM_NODE, EMBED_DIM), dtype=jnp.float32) * float(np.sqrt(2.0 / (NUM_NODE + EMBED_DIM)))
    node_emb = node_emb.at[0].set(0.0)
    edge_w = jax.random.normal(k5, (EDGE_VOCAB, 1), dtype=jnp.float32) * float(np.sqrt(2.0 / (EDGE_VOCAB + 1)))
    edge_w = edge_w.at[0].set(0.0)
    node_w = jax.random.normal(k6, (NUM_NODE, 1), dtype=jnp.float32) * float(np.sqrt(2.0 / (NUM_NODE + 1)))
    node_w = node_w.at[0].set(0.0)
    fc_W = jax.random.normal(k7, (NUM_CLS, EMBED_DIM), dtype=jnp.float32) * float(np.sqrt(1.0 / EMBED_DIM))
    fc_b = jax.random.normal(k8, (NUM_CLS,), dtype=jnp.float32) * 0.01
    return {"X": X, "NX": NX, "EW": EW, "node_emb": node_emb, "edge_w": edge_w, "node_w": node_w, "fc_W": fc_W, "fc_b": fc_b}


def reference(X, NX, EW, node_emb, edge_w, node_w, fc_W, fc_b):
    # Ra: (B, S, N, D) neighbor node embeddings
    Ra = jnp.take(node_emb, NX, axis=0)
    # Ean: (B, S, N, 1) edge weights
    Ean = jnp.take(edge_w, EW, axis=0)
    # max-pool over neighbors
    Mn = jnp.max(Ra * Ean, axis=2)  # (B, S, D)
    Rn = jnp.take(node_emb, X, axis=0)  # (B, S, D)
    Nn = jnp.take(node_w, X, axis=0)  # (B, S, 1)
    y = (1.0 - Nn) * Mn + Nn * Rn  # (B, S, D)
    y = jnp.sum(y, axis=1)  # (B, D)
    # fc: Linear -> ReLU -> Dropout(eval: identity) -> LogSoftmax
    y = y @ fc_W.T + fc_b
    y = jax.nn.relu(y)
    y = jax.nn.log_softmax(y, axis=1)
    return y

if __name__ == "__main__":
    import jax
    _d = setup_inputs()
    print(jax.jit(kernel)(*tuple(_d.values())))

</pallas_src>

<mosaic_0001>
#map = affine_map<(d0, d1) -> (0, 0)>
#map1 = affine_map<(d0, d1) -> (0)>
module attributes {stable_mosaic.version = 14 : i64} {
  func.func @_sc_body(%arg0: i32, %arg1: i32, %arg2: memref<1024x800xi32, #tpu.memory_space<hbm>>, %arg3: memref<1024x800xi32, #tpu.memory_space<hbm>>, %arg4: memref<1024x56xi32, #tpu.memory_space<hbm>>, %arg5: memref<10000x64xi32, #tpu.memory_space<hbm>>, %arg6: memref<99980002xf32, #tpu.memory_space<hbm>>, %arg7: memref<10000xf32, #tpu.memory_space<hbm>>, %arg8: memref<1024x128xf32, #tpu.memory_space<hbm>>, %arg9: memref<800xi32, #tpu.memory_space<vmem>>, %arg10: memref<800xi32, #tpu.memory_space<vmem>>, %arg11: memref<800xi32, #tpu.memory_space<vmem>>, %arg12: memref<800xi32, #tpu.memory_space<vmem>>, %arg13: memref<56xi32, #tpu.memory_space<vmem>>, %arg14: memref<80xf32, #tpu.memory_space<vmem>>, %arg15: memref<80xf32, #tpu.memory_space<vmem>>, %arg16: memref<80xf32, #tpu.memory_space<vmem>>, %arg17: memref<80xf32, #tpu.memory_space<vmem>>, %arg18: memref<128x64xi32, #tpu.memory_space<vmem>>, %arg19: memref<128xf32, #tpu.memory_space<vmem>>, %arg20: memref<80x64xi32, #tpu.memory_space<vmem>>, %arg21: memref<80x64xi32, #tpu.memory_space<vmem>>, %arg22: memref<80x64xi32, #tpu.memory_space<vmem>>, %arg23: memref<80x64xi32, #tpu.memory_space<vmem>>, %arg24: memref<128xf32, #tpu.memory_space<vmem>>, %arg25: memref<!tpu.dma_semaphore, #tpu.memory_space<semaphore_mem>>, %arg26: memref<!tpu.dma_semaphore, #tpu.memory_space<semaphore_mem>>, %arg27: memref<!tpu.dma_semaphore, #tpu.memory_space<semaphore_mem>>, %arg28: memref<!tpu.dma_semaphore, #tpu.memory_space<semaphore_mem>>, %arg29: memref<!tpu.dma_semaphore, #tpu.memory_space<semaphore_mem>>, %arg30: memref<!tpu.dma_semaphore, #tpu.memory_space<semaphore_mem>>) attributes {dimension_semantics = [#tpu.dimension_semantics<core_parallel>, #tpu.dimension_semantics<subcore_parallel>], iteration_bounds = array<i64: 2, 16>, scalar_prefetch = 0 : i64, scratch_operands = 22 : i64, tpu.core_type = #tpu.core_type<sc_vector_subcore>, window_params = [{transform_indices = #map}, {transform_indices = #map}, {transform_indices = #map}, {transform_indices = #map}, {transform_indices = #map1}, {transform_indices = #map1}, {transform_indices = #map}]} {
    %mul3A = arith.constant 2 : i32
    %mul3A_0 = arith.muli %arg1, %mul3A : i32
    %add3A = arith.addi %mul3A_0, %arg0 : i32
    %mul3A_1 = arith.constant 32 : i32
    %mul3A_2 = arith.muli %add3A, %mul3A_1 : i32
    %add3A_3 = arith.constant 0 : i32
    %add3A_4 = arith.addi %mul3A_2, %add3A_3 : i32
    %dma_start3A = arith.constant 0 : i32
    %dma_start3A_5 = tpu.memref_slice %arg2[%add3A_4, %dma_start3A] : memref<1024x800xi32, #tpu.memory_space<hbm>> -> memref<1x800xi32, #tpu.memory_space<hbm>>
    %dma_start3A_6 = tpu.memref_squeeze %dma_start3A_5 : memref<1x800xi32, #tpu.memory_space<hbm>> -> memref<800xi32, #tpu.memory_space<hbm>>
    %dma_start3A_7 = arith.constant 0 : i32
    %dma_start3A_8 = tpu.memref_slice %arg2[%add3A_4, %dma_start3A_7] : memref<1024x800xi32, #tpu.memory_space<hbm>> -> memref<1x800xi32, #tpu.memory_space<hbm>>
    %dma_start3A_9 = tpu.memref_squeeze %dma_start3A_8 : memref<1x800xi32, #tpu.memory_space<hbm>> -> memref<800xi32, #tpu.memory_space<hbm>>
    tpu.enqueue_dma source(%dma_start3A_9 : memref<800xi32, #tpu.memory_space<hbm>>) target(%arg9 : memref<800xi32, #tpu.memory_space<vmem>>) target_semaphore(%arg30 : memref<!tpu.dma_semaphore, #tpu.memory_space<semaphore_mem>>)
    %dma_start3A_10 = arith.constant 0 : i32
    %dma_start3A_11 = tpu.memref_slice %arg3[%add3A_4, %dma_start3A_10] : memref<1024x800xi32, #tpu.memory_space<hbm>> -> memref<1x800xi32, #tpu.memory_space<hbm>>
    %dma_start3A_12 = tpu.memref_squeeze %dma_start3A_11 : memref<1x800xi32, #tpu.memory_space<hbm>> -> memref<800xi32, #tpu.memory_space<hbm>>
    %dma_start3A_13 = arith.constant 0 : i32
    %dma_start3A_14 = tpu.memref_slice %arg3[%add3A_4, %dma_start3A_13] : memref<1024x800xi32, #tpu.memory_space<hbm>> -> memref<1x800xi32, #tpu.memory_space<hbm>>
    %dma_start3A_15 = tpu.memref_squeeze %dma_start3A_14 : memref<1x800xi32, #tpu.memory_space<hbm>> -> memref<800xi32, #tpu.memory_space<hbm>>
    tpu.enqueue_dma source(%dma_start3A_15 : memref<800xi32, #tpu.memory_space<hbm>>) target(%arg11 : memref<800xi32, #tpu.memory_space<vmem>>) target_semaphore(%arg30 : memref<!tpu.dma_semaphore, #tpu.memory_space<semaphore_mem>>)
    %dma_start3A_16 = arith.constant 0 : i32
    %dma_start3A_17 = tpu.memref_slice %arg4[%add3A_4, %dma_start3A_16] : memref<1024x56xi32, #tpu.memory_space<hbm>> -> memref<1x56xi32, #tpu.memory_space<hbm>>
    %dma_start3A_18 = tpu.memref_squeeze %dma_start3A_17 : memref<1x56xi32, #tpu.memory_space<hbm>> -> memref<56xi32, #tpu.memory_space<hbm>>
    %dma_start3A_19 = arith.constant 0 : i32
    %dma_start3A_20 = tpu.memref_slice %arg4[%add3A_4, %dma_start3A_19] : memref<1024x56xi32, #tpu.memory_space<hbm>> -> memref<1x56xi32, #tpu.memory_space<hbm>>
    %dma_start3A_21 = tpu.memref_squeeze %dma_start3A_20 : memref<1x56xi32, #tpu.memory_space<hbm>> -> memref<56xi32, #tpu.memory_space<hbm>>
    tpu.enqueue_dma source(%dma_start3A_21 : memref<56xi32, #tpu.memory_space<hbm>>) target(%arg13 : memref<56xi32, #tpu.memory_space<vmem>>) target_semaphore(%arg30 : memref<!tpu.dma_semaphore, #tpu.memory_space<semaphore_mem>>)
    %add3A_22 = arith.constant 0 : i32
    %add3A_23 = arith.addi %mul3A_2, %add3A_22 : i32
    %dma_wait3A = arith.constant 0 : i32
    %dma_wait3A_24 = tpu.memref_slice %arg2[%add3A_23, %dma_wait3A] : memref<1024x800xi32, #tpu.memory_space<hbm>> -> memref<1x800xi32, #tpu.memory_space<hbm>>
    %dma_wait3A_25 = tpu.memref_squeeze %dma_wait3A_24 : memref<1x800xi32, #tpu.memory_space<hbm>> -> memref<800xi32, #tpu.memory_space<hbm>>
    %dma_wait3A_26 = arith.constant 0 : i32
    %dma_wait3A_27 = tpu.memref_slice %arg2[%add3A_23, %dma_wait3A_26] : memref<1024x800xi32, #tpu.memory_space<hbm>> -> memref<1x800xi32, #tpu.memory_space<hbm>>
    %dma_wait3A_28 = tpu.memref_squeeze %dma_wait3A_27 : memref<1x800xi32, #tpu.memory_space<hbm>> -> memref<800xi32, #tpu.memory_space<hbm>>
    tpu.wait_dma2 semaphore(%arg30 : memref<!tpu.dma_semaphore, #tpu.memory_space<semaphore_mem>>) src(%dma_wait3A_28 : memref<800xi32, #tpu.memory_space<hbm>>) dst(%arg9 : memref<800xi32, #tpu.memory_space<vmem>>)
    %dma_wait3A_29 = arith.constant 0 : i32
    %dma_wait3A_30 = tpu.memref_slice %arg3[%add3A_23, %dma_wait3A_29] : memref<1024x800xi32, #tpu.memory_space<hbm>> -> memref<1x800xi32, #tpu.memory_space<hbm>>
    %dma_wait3A_31 = tpu.memref_squeeze %dma_wait3A_30 : memref<1x800xi32, #tpu.memory_space<hbm>> -> memref<800xi32, #tpu.memory_space<hbm>>
    %dma_wait3A_32 = arith.constant 0 : i32
    %dma_wait3A_33 = tpu.memref_slice %arg3[%add3A_23, %dma_wait3A_32] : memref<1024x800xi32, #tpu.memory_space<hbm>> -> memref<1x800xi32, #tpu.memory_space<hbm>>
    %dma_wait3A_34 = tpu.memref_squeeze %dma_wait3A_33 : memref<1x800xi32, #tpu.memory_space<hbm>> -> memref<800xi32, #tpu.memory_space<hbm>>
    tpu.wait_dma2 semaphore(%arg30 : memref<!tpu.dma_semaphore, #tpu.memory_space<semaphore_mem>>) src(%dma_wait3A_34 : memref<800xi32, #tpu.memory_space<hbm>>) dst(%arg11 : memref<800xi32, #tpu.memory_space<vmem>>)
    %dma_wait3A_35 = arith.constant 0 : i32
    %dma_wait3A_36 = tpu.memref_slice %arg4[%add3A_23, %dma_wait3A_35] : memref<1024x56xi32, #tpu.memory_space<hbm>> -> memref<1x56xi32, #tpu.memory_space<hbm>>
    %dma_wait3A_37 = tpu.memref_squeeze %dma_wait3A_36 : memref<1x56xi32, #tpu.memory_space<hbm>> -> memref<56xi32, #tpu.memory_space<hbm>>
    %dma_wait3A_38 = arith.constant 0 : i32
    %dma_wait3A_39 = tpu.memref_slice %arg4[%add3A_23, %dma_wait3A_38] : memref<1024x56xi32, #tpu.memory_space<hbm>> -> memref<1x56xi32, #tpu.memory_space<hbm>>
    %dma_wait3A_40 = tpu.memref_squeeze %dma_wait3A_39 : memref<1x56xi32, #tpu.memory_space<hbm>> -> memref<56xi32, #tpu.memory_space<hbm>>
    tpu.wait_dma2 semaphore(%arg30 : memref<!tpu.dma_semaphore, #tpu.memory_space<semaphore_mem>>) src(%dma_wait3A_40 : memref<56xi32, #tpu.memory_space<hbm>>) dst(%arg13 : memref<56xi32, #tpu.memory_space<vmem>>)
    %broadcast_in_dim3A = arith.constant 0.000000e+00 : f32
    %broadcast_in_dim3A_41 = vector.broadcast %broadcast_in_dim3A : f32 to vector<16xf32>
    %broadcast_in_dim3A_42 = arith.constant 0.000000e+00 : f32
    %broadcast_in_dim3A_43 = vector.broadcast %broadcast_in_dim3A_42 : f32 to vector<16xf32>
    %broadcast_in_dim3A_44 = arith.constant 0.000000e+00 : f32
    %broadcast_in_dim3A_45 = vector.broadcast %broadcast_in_dim3A_44 : f32 to vector<16xf32>
    %broadcast_in_dim3A_46 = arith.constant 0.000000e+00 : f32
    %broadcast_in_dim3A_47 = vector.broadcast %broadcast_in_dim3A_46 : f32 to vector<16xf32>
    %broadcast_in_dim3A_48 = arith.constant 0.000000e+00 : f32
    %broadcast_in_dim3A_49 = vector.broadcast %broadcast_in_dim3A_48 : f32 to vector<16xf32>
    %broadcast_in_dim3A_50 = arith.constant 0.000000e+00 : f32
    %broadcast_in_dim3A_51 = vector.broadcast %broadcast_in_dim3A_50 : f32 to vector<16xf32>
    %broadcast_in_dim3A_52 = arith.constant 0.000000e+00 : f32
    %broadcast_in_dim3A_53 = vector.broadcast %broadcast_in_dim3A_52 : f32 to vector<16xf32>
    %broadcast_in_dim3A_54 = arith.constant 0.000000e+00 : f32
    %broadcast_in_dim3A_55 = vector.broadcast %broadcast_in_dim3A_54 : f32 to vector<16xf32>
    %scan3A = arith.constant 0 : i32
    %scan3A_56 = arith.constant 160 : i32
    %scan3A_57 = arith.addi %scan3A, %scan3A_56 : i32
    %scan3A_58 = arith.constant 1 : i32
    scf.for %scan3A_60 = %scan3A to %scan3A_57 step %scan3A_58  : i32 {
      %mul3A_61 = arith.constant 2 : i32
      %mul3A_62 = arith.muli %mul3A_61, %scan3A_60 : i32
      %add3A_63 = arith.constant 0 : i32
      %add3A_64 = arith.addi %mul3A_62, %add3A_63 : i32
      %add3A_65 = arith.constant 2 : i32
      %add3A_66 = arith.addi %add3A_64, %add3A_65 : i32
      %sub3A = arith.constant 1 : i32
      %sub3A_67 = arith.subi %add3A_66, %sub3A : i32
      %lt3A = arith.constant 320 : i32
      %lt3A_68 = arith.cmpi slt, %sub3A_67, %lt3A : i32
      %convert_element_type3A = arith.extui %lt3A_68 : i1 to i32
      %cond3A = arith.constant 0 : i32
      %cond3A_69 = arith.cmpi ne, %convert_element_type3A, %cond3A : i32
      scf.if %cond3A_69 {
        %add3A_83 = arith.constant 2 : i32
        %add3A_84 = arith.addi %add3A_64, %add3A_83 : i32
        %sub3A_85 = arith.constant 1 : i32
        %sub3A_86 = arith.subi %add3A_84, %sub3A_85 : i32
      } else {
      }
      %mul3A_70 = arith.constant 2 : i32
      %mul3A_71 = arith.muli %mul3A_70, %scan3A_60 : i32
      %add3A_72 = arith.constant 1 : i32
      %add3A_73 = arith.addi %mul3A_71, %add3A_72 : i32
      %add3A_74 = arith.constant 2 : i32
      %add3A_75 = arith.addi %add3A_73, %add3A_74 : i32
      %sub3A_76 = arith.constant 1 : i32
      %sub3A_77 = arith.subi %add3A_75, %sub3A_76 : i32
      %lt3A_78 = arith.constant 320 : i32
      %lt3A_79 = arith.cmpi slt, %sub3A_77, %lt3A_78 : i32
      %convert_element_type3A_80 = arith.extui %lt3A_79 : i1 to i32
      %cond3A_81 = arith.constant 0 : i32
      %cond3A_82 = arith.cmpi ne, %convert_element_type3A_80, %cond3A_81 : i32
      scf.if %cond3A_82 {
        %add3A_83 = arith.constant 2 : i32
        %add3A_84 = arith.addi %add3A_73, %add3A_83 : i32
        %sub3A_85 = arith.constant 1 : i32
        %sub3A_86 = arith.subi %add3A_84, %sub3A_85 : i32
      } else {
      }
    }
    %scan3A_59 = arith.constant 160 : i32
    return
  }
}

</mosaic_0001>

<sc_bundles>
// kernel: _gnn_sc.3.cloned.1.call-start
scs
__scs_entry_jumppad:
0x0: {  	(pc) =	sbr.rel $0x88, $3  }
0x1: {  	(tag) =	ssettag $0x0;
	lr =	simm.s32 $0x1  }
0x2: {  	[smem:$0x3F9B] =	sst lr;
	_ =	strace $0xD0000000  }
0x3: {  	_ = 	snop  }
0x4: {  	_ = 	snop  }
0x5: {  	_ = 	snop  }
0x6: {  	_ = 	snop  }
0x7: {  	_ = 	snop  }
__scs_overlays_trampoline_lowered:
0x8: {  	[smem:$0x3FAA] =	sst s0  }
0x9: {  	[smem:$0x3FAB] =	sst s1  }
0xa: {  	[smem:$0x3FAC] =	sst s2  }
0xb: {  	[smem:$0x3FAD] =	sst s3  }
0xc: {  	[smem:$0x3FAE] =	sst s4  }
0xd: {  	[smem:$0x3FAF] =	sst s5  }
0xe: {  	[smem:$0x3FB0] =	sst s6  }
0xf: {  	[smem:$0x3FB1] =	sst s7  }
0x10: {  	[smem:$0x3FB2] =	sst s8  }
0x11: {  	[smem:$0x3FB3] =	sst s9;
	s0 =	simm.s32 @!p0 $0x0  }
0x12: {  	s1 =	sld [smem:$0x3F99];
	s0 =	simm.s32 @p0 $0x1  }
0x13: {  	[smem:$0x3FB4] =	sst s0;
	s0 =	simm.s32 @!p1 $0x0  }
0x14: {  	s2 =	sld [smem:$0x3F98];
	s0 =	simm.s32 @p1 $0x1  }
0x15: {  	[smem:$0x3FB5] =	sst s0;
	s0 =	simm.s32 @!p2 $0x0  }
0x16: {  	s3 =	sld [smem:$0x3FDB];
	s0 =	simm.s32 @p2 $0x1  }
0x17: {  	s4 =	simm.s32 $0x1BF5;
	[smem:$0x3FB7] =	sst s0  }
0x18: {  	s0 =	sld [smem:$0x3F9A];
	_ =	swait.ge [sflag:s4], $0x0  }
0x19: {  	s7 =	sld [smem:$0x3F9B]  }
0x1a: {  	s8 =	sadd.s32 $0xFFFFE003, lr  }
0x1b: {  	s9 =	sadd.s32 $0xFFFFFEF7, lr;
	s5 =	simm.s32 $0xFFFFFFFF;
	p2 =	slt.u32 s8, $0xFFFFF086  }
0x1c: {  	p1 =	slt.u32 s9, $0xF7A;
	s5 =	simm.s32 @!p2 $0x0  }
0x1d: {  	s5 =	simm.s32 @p1 $0x1;
	p0 =	seq.s32 s7, s2  }
0x1e: {  	s7 =	smul.u32 @!p0 $0xF7A, s2;
	p2 =	seq.s32 @!p0 s5, $0x0  }
0x1f: {  	s9 =	smul.u32 $0xF7A, s1;
	s8 =	simm.s32 @!p0 $0x1BF5;
	p2 =	por !p2, p0  }
0x20: {  	[sflag:s8] =	ssyncset.s32 @!p0 $0xFFFFF086;
	s6 =	sadd.s32 @!p0 s3, s7;
	s7 =	simm.s32 @!p0 $0x108  }
0x21: {  	s3 =	sadd.s32 s3, s9;
	s6 =	sadd.s32 @!p0 $0x88, s6;
	s7 =	simm.s32 @p2 $0x1082  }
0x22: {  	[simem:s7], [sflag:s8] =	dma.local @!p0 [hbm:s6], $0xF7A  }
0x23: {  	s9 =	sor.u32 $0xD0000000, s2;
	s6 =	simm.s32 $0x108;
	_ =	swait.ge @!p0 [sflag:s8], $0x0  }
0x24: {  	s3 =	sadd.s32 $0x88, s3;
	s6 =	simm.s32 @!p1 $0x1082;
	[sflag:s4] =	ssyncset.s32 $0xFFFFF086  }
0x25: {  	[simem:s6], [sflag:s4] =	dma.local [hbm:s3], $0xF7A  }
0x26: {  	[smem:$0x3F9B] =	sst s1;
	(tag) =	ssettag s2;
	_ =	strace s9  }
0x27: {  	s1 =	sld [smem:$0x3FAB]  }
0x28: {  	s2 =	sld [smem:$0x3FAC]  }
0x29: {  	s4 =	sld [smem:$0x3FAE]  }
0x2a: {  	p0 =	seq.s32 s5, $0x0;
	s5 =	sld [smem:$0x3FAF]  }
0x2b: {  	s6 =	sld [smem:$0x3FB0]  }
0x2c: {  	s7 =	sld [smem:$0x3FB1]  }
0x2d: {  	s3 =	simm.s32 $0x108;
	s8 =	sld [smem:$0x3FB2]  }
0x2e: {  	s3 =	simm.s32 @!p0 $0x1082;
	s9 =	sld [smem:$0x3FB3]  }
0x2f: {  	lr =	sadd.s32 s0, s3;
	s0 =	sld [smem:$0x3FAA]  }
0x30: {  	s3 =	sld [smem:$0x3FAD]  }
0x31: {  	[smem:$0x3FB6] =	sst s10  }
0x32: {  	s10 =	sld [smem:$0x3FB4];
	_ =	sdelay $0x3  }
0x33: {  	p0 =	seq.s32 s10, $0x1;
	s10 =	sld [smem:$0x3FB6];
	_ =	sdelay $0x3  }
0x34: {  	[smem:$0x3FB6] =	sst s10  }
0x35: {  	s10 =	sld [smem:$0x3FB5];
	_ =	sdelay $0x3  }
0x36: {  	p1 =	seq.s32 s10, $0x1;
	s10 =	sld [smem:$0x3FB6];
	_ =	sdelay $0x3  }
0x37: {  	[smem:$0x3FB6] =	sst s10  }
0x38: {  	s10 =	sld [smem:$0x3FB7]  }
0x39: {  	_ = 	snop;
	(pc) =	sbr.ind lr, $3  }
0x3a: {  	_ = 	snop  }
0x3b: {  	_ = 	snop  }
0x3c: {  	p2 =	seq.s32 s10, $0x1;
	s10 =	sld [smem:$0x3FB6]  }
0x3d: {  	_ =	shalt  }
0x3e: {  	_ =	shalt  }
0x3f: {  	_ =	shalt  }
0x40: {  	_ =	shalt  }
0x41: {  	_ =	shalt  }
0x42: {  	_ =	shalt  }
0x43: {  	_ =	shalt  }
0x44: {  	_ =	shalt  }
0x45: {  	_ =	shalt  }
0x46: {  	_ =	shalt  }
0x47: {  	_ =	shalt  }
0x48: {  	_ =	shalt  }
0x49: {  	_ =	shalt  }
0x4a: {  	_ =	shalt  }
0x4b: {  	_ =	shalt  }
0x4c: {  	_ =	shalt  }
0x4d: {  	_ =	shalt  }
0x4e: {  	_ =	shalt  }
0x4f: {  	_ =	shalt  }
0x50: {  	_ =	shalt  }
0x51: {  	_ =	shalt  }
0x52: {  	_ =	shalt  }
0x53: {  	_ =	shalt  }
0x54: {  	_ =	shalt  }
0x55: {  	_ =	shalt  }
0x56: {  	_ =	shalt  }
0x57: {  	_ =	shalt  }
0x58: {  	_ =	shalt  }
0x59: {  	_ =	shalt  }
0x5a: {  	_ =	shalt  }
0x5b: {  	_ =	shalt  }
0x5c: {  	_ =	shalt  }
0x5d: {  	_ =	shalt  }
0x5e: {  	_ =	shalt  }
0x5f: {  	_ =	shalt  }
0x60: {  	_ =	shalt  }
0x61: {  	_ =	shalt  }
0x62: {  	_ =	shalt  }
0x63: {  	_ =	shalt  }
0x64: {  	_ =	shalt  }
0x65: {  	_ =	shalt  }
0x66: {  	_ =	shalt  }
0x67: {  	_ =	shalt  }
0x68: {  	_ =	shalt  }
0x69: {  	_ =	shalt  }
0x6a: {  	_ =	shalt  }
0x6b: {  	_ =	shalt  }
0x6c: {  	_ =	shalt  }
0x6d: {  	_ =	shalt  }
0x6e: {  	_ =	shalt  }
0x6f: {  	_ =	shalt  }
0x70: {  	_ =	shalt  }
0x71: {  	_ =	shalt  }
0x72: {  	_ =	shalt  }
0x73: {  	_ =	shalt  }
0x74: {  	_ =	shalt  }
0x75: {  	_ =	shalt  }
0x76: {  	_ =	shalt  }
0x77: {  	_ =	shalt  }
0x78: {  	_ =	shalt  }
0x79: {  	_ =	shalt  }
0x7a: {  	_ =	shalt  }
0x7b: {  	_ =	shalt  }
0x7c: {  	_ =	shalt  }
0x7d: {  	_ =	shalt  }
0x7e: {  	_ =	shalt  }
0x7f: {  	_ =	shalt  }
0x80: {  	_ =	shalt  }
0x81: {  	_ =	shalt  }
0x82: {  	_ =	shalt  }
0x83: {  	_ =	shalt  }
0x84: {  	_ =	shalt  }
0x85: {  	_ =	shalt  }
0x86: {  	_ =	shalt  }
0x87: {  	_ =	shalt  }
.Lfunc_end0:
.L_simem_size_0:
called_computation_lowered:
.L_overlay_start_0:
0x88: {  	s2 =	sld [smem:$0x3FD9]  }
0x89: {  	s3 =	sld [smem:$0x3FFE];
	_ =	sdelay $0x1  }
0x8a: {  	s1 =	srdreg.scid  }
0x8b: {  	s0 =	sand.u32 $0x1, s1  }
0x8c: {  	s16 =	sshll.u32 s0, $0xA;
	s2 =	sadd.s32 s3, s2  }
0x8d: {  	s2 =	sadd.s32 s2, s16  }
0x8e: {  	[smem:$0x3FC2] =	sst s2  }
0x8f: {  	_ = 	snop  }
0x90: {  	(tm) =	ssettm $0x1  }
0x91: {  	s17 =	sld [smem:$0x3FFB];
	_ =	sdelay $0x3  }
0x92: {  	_ =	strace s17  }
0x93: {  	s2 =	sld [smem:$0x3FFC];
	_ =	sdelay $0x3  }
0x94: {  	_ =	strace s2  }
0x95: {  	s2 =	sld [smem:$0x3FFD];
	_ =	sdelay $0x3  }
0x96: {  	_ =	strace s2  }
0x97: {  	_ =	strace $0x8FFFFFFF  }
0x98: {  	s18 =	sld [smem:$0x3FDB];
	_ =	sdelay $0x1  }
0x99: {  	s19 =	simm.s32 $_scs_section_size  }
0x9a: {  	s4 =	simm.s32 $_size__tile_overlayer_lowered;
	s5 =	simm.s32 $_tile_overlayer_lowered  }
0x9b: {  	s22 =	simm.s32 $0x1BFF;
	s21 =	sshll.u32 s5, $0x1;
	s2 =	sadd.s32 s19, s18  }
0x9c: {  	s6 =	simm.s32 $0x0;
	s20 =	sshll.u32 s4, $0x1;
	s4 =	sadd.s32 s21, s2  }
0x9d: {  	[timem:s6], [sflag:s22] =	dma.local [hbm:s4], s20  }
0x9e: {  	_ =	swait.ge [sflag:s22], s20  }
0x9f: {  	s3 =	ssub.s32 $0x0, s20;
	[sflag:s22] =	ssyncset.done $0x0  }
0xa0: {  	[sflag:s22] =	ssyncadd.s32 s3;
	_ =	sdelay $0x1  }
0xa1: {  	s23 =	simm.s32 $0x1B8B  }
0xa2: {  	_ =	swait.ge [sflag:s23], $0x1  }
0xa3: {  	[sflag:s23] =	ssyncset.done $0x0  }
0xa4: {  	s25 =	simm.s32 $0x1B8E;
	s24 =	sld [smem:$0x3FFE];
	[sflag:s23] =	ssyncadd.s32 $0xFFFFFFFF  }
0xa5: {  	s26 =	simm.s32 $execute0_lowered;
	[smem:$0x3FD2] =	sst s25  }
0xa6: {  	s4 =	sshll.u32 s26, $0x1;
	_ =	strace $0x80000046;
	[dreg:$0x1] =	wrdreg $0xFFFFFFFF  }
0xa7: {  	s28 =	simm.s32 $_size_execute0_lowered;
	s2 =	sadd.s32 s2, s4;
	[dreg:$0x0] =	wrdreg $0x0  }
0xa8: {  	s4 =	sshll.u32 s28, $0x1;
	[dreg:$0x2] =	wrdreg s2  }
0xa9: {  	[dreg:$0x3] =	wrdreg s4  }
0xaa: {  	[dreg:$0x4] =	wrdreg $0xC0  }
0xab: {  	_ =	task [dreg:s6], $0x5FFFF  }
0xac: {  	[dreg:$0x1] =	wrdreg $0xFFFFFFFF  }
0xad: {  	[dreg:$0x0] =	wrdreg $0x60  }
0xae: {  	[dreg:$0x2] =	wrdreg s24  }
0xaf: {  	[dreg:$0x3] =	wrdreg $0x9  }
0xb0: {  	_ =	task.clear_ibuf [dreg:s6], $0x4FFFF;
	_ =	strace $0x90000046  }
0xb1: {  	s29 =	simm.s32 $0x9;
	_ =	strace $0x80000048  }
0xb2: {  	_ =	swait.ge [sflag:s29], $0x1  }
0xb3: {  	[sflag:s29] =	ssyncadd.s32 $0xFFFFFFFF  }
0xb4: {  	_ =	strace $0x90000048  }
0xb5: {  	_ =	sfence  }
0xb6: {  	s30 =	sld [smem:$0x0];
	_ =	sdelay $0x2  }
0xb7: {  	s31 =	sshll.u32 s1, $0xD;
	s1 =	sshrl.u32 s1, $0x2  }
0xb8: {  	s3 =	sand.u32 $0x4000, s31;
	s1 =	sadd.s32 s1, s30  }
0xb9: {  	s0 =	sor.u32 s3, s0;
	s1 =	sshll.u32 s1, $0x11  }
0xba: {  	s0 =	sor.u32 s1, s0  }
0xbb: {  	s0 =	sadd.s32 $0x8F2B, s0  }
0xbc: {  	[sflag:s0] =	ssyncadd.remote.s32 $0x1  }
0xbd: {  	_ =	sfence.sel $0xFFFF  }
0xbe: {  	[dreg:$0x0] =	wrdreg $0xFFFFFFFF;
	(pc) =	sbr.abs _section_cstart, $3  }
0xbf: {  	[dreg:$0x1] =	wrdreg $0xFFFFFFFF  }
0xc0: {  	_ =	task.clear_ibuf [dreg:s6], $0x2FFFF;
	_ =	strace $0x9FFFFFFF  }
0xc1: {  	(tm) =	ssettm $0x7FFFFFFF  }
tec
execute0_lowered:
.L_overlay_start_1:
0x0: {  	(tag) =	ssettag $0x1  }
0x1: {  	s1 =	srdreg.scid  }
0x2: {  	s0 =	stileid.u32;
	s9 =	sand.u32 $0x1, s1  }
0x3: {  	s31 =	sshll.u32 s0, $0x6;
	s2 =	sshll.u32 s9, $0x5  }
0x4: {  	s3 =	sor.u32 s2, s31  }
0x5: {  	s4 =	rddreg [dreg:$0x0];
	s5 =	smul.u32 $0x64, s3  }
0x6: {  	s8 =	simm.s32 $0x640;
	s1 =	rddreg [dreg:$0x1];
	s2 =	simm.s32 $0x0  }
0x7: {  	s9 =	ssub.s32 $0x2, s9;
	[smem:$0x7FF] =	sst s2;
	s5 =	sadd.s32 s5, s4  }
0x8: {  	s6 =	smul.u32 $0x7, s3;
	_ =	strace $0x80000047;
	s3 =	sadd.s32 $0x2D400, s5  }
0x9: {  	[tilespmem:s2], [sflag:$0x1] =	stream.linear.gather [hbm4b:s3+s2], $0x320, $0x38;
	[tilespmem:$0x678] =	vst v63  }
0xa: {  	s6 =	sadd.s32 s6, s4;
	s4 =	sadd.s32 $0x14400, s5;
	s5 =	simm.s32 $0x320  }
0xb: {  	[tilespmem:s5], [sflag:$0x1] =	stream.linear.gather [hbm4b:s4+s2], $0x320, $0x38;
	[tilespmem:$0x678] =	vst v63  }
0xc: {  	s7 =	simm.s32 $0x1;
	s10 =	sshrl.u32 s9, $0x1;
	s6 =	sadd.s32 $0x46400, s6  }
0xd: {  	[tilespmem:s8], [sflag:$0x1] =	stream.linear.gather [hbm4b:s6+s2], $0x38, $0x38;
	[tilespmem:$0x678] =	vst v63  }
0xe: {  	s9 =	ssub.s32 s9, s10;
	_ =	swait.ge [sflag:s7], $0x320  }
0xf: {  	s9 =	smax.u32 s9, $0x1;
	[sflag:s7] =	ssyncset.done $0x0  }
0x10: {  	p0 =	sne.s32 s9, $0x1;
	[sflag:s7] =	ssyncadd.s32 $0xFFFFFCE0  }
.Ltmp0:
0x11: {  	_ =	swait.ge [sflag:s7], $0x320;
	(pc) =	sbr.rel @!p0 .LBB2_2-.Ltmp0, $4  }
0x12: {  	[sflag:s7] =	ssyncset.done $0x0  }
0x13: {  	[sflag:s7] =	ssyncadd.s32 $0xFFFFFCE0  }
0x14: {  	_ =	swait.ge [sflag:s7], $0x38  }
0x15: {  	s9 =	sadd.s32 $0xFFFFFFFF, s9;
	[sflag:s7] =	ssyncset.done $0x0  }
.LBB2_1:
0x16: {  	p0 =	sne.s32 s9, $0x1;
	s9 =	sadd.s32 $0xFFFFFFFF, s9;
	[sflag:s7] =	ssyncadd.s32 $0xFFFFFFC8  }
0x17: {  	[tilespmem:s2], [sflag:$0x1] =	stream.linear.gather [hbm4b:s3+s2], $0x320, $0x38;
	[tilespmem:$0x678] =	vst v63  }
0x18: {  	_ = 	snop  }
0x19: {  	[tilespmem:s5], [sflag:$0x1] =	stream.linear.gather [hbm4b:s4+s2], $0x320, $0x38;
	[tilespmem:$0x678] =	vst v63  }
0x1a: {  	_ = 	snop  }
0x1b: {  	[tilespmem:s8], [sflag:$0x1] =	stream.linear.gather [hbm4b:s6+s2], $0x38, $0x38;
	[tilespmem:$0x678] =	vst v63  }
0x1c: {  	_ =	swait.ge [sflag:s7], $0x320  }
0x1d: {  	[sflag:s7] =	ssyncset.done $0x0  }
0x1e: {  	[sflag:s7] =	ssyncadd.s32 $0xFFFFFCE0  }
.Ltmp1:
0x1f: {  	_ =	swait.ge [sflag:s7], $0x320;
	(pc) =	sbr.rel @p0 .LBB2_1-.Ltmp1, $4  }
0x20: {  	[sflag:s7] =	ssyncset.done $0x0  }
0x21: {  	[sflag:s7] =	ssyncadd.s32 $0xFFFFFCE0  }
0x22: {  	_ =	swait.ge [sflag:s7], $0x38  }
0x23: {  	[sflag:s7] =	ssyncset.done $0x0  }
.LBB2_2:
0x24: {  	[sflag:s7] =	ssyncadd.s32 $0xFFFFFFC8  }
0x25: {  	_ =	sfence.sel $0x180000  }
0x26: {  	[bflag:$0x0] =	sbarrier.arrive $0xFFFF  }
0x27: {  	p0 =	sne.s32 s0, $0x0;
	_ =	strace $0x90000047  }
0x28: {  	s0 =	sadd.s32 @!p0 $0x100000, s1;
	[bflag:$0x2] =	sbarrier.arrive $0xFFFF  }
0x29: {  	[sflag:s0] =	ssyncadd.tile.s32 @!p0 $0x1;
	_ =	shalt  }
.Lfunc_end2:
_tile_overlayer_lowered:
.L_overlay_start_2:
0x2a: {  	(tag) =	ssettag $0x2  }
0x2b: {  	s0 =	rddreg [dreg:$0x0];
	s2 =	stileid.u32  }
0x2c: {  	s1 =	rddreg [dreg:$0x1];
	p0 =	sne.s32 s2, $0x0  }
0x2d: {  	s3 =	rddreg [dreg:$0x2];
	[bflag:$0x3] =	sbarrier.arrive $0xFFFF;
	s2 =	simm.s32 @!p0 $0x1C02  }
0x2e: {  	[timem:s3], [sflag:s2] =	dma.local @!p0 [hbm:s0], s1  }
0x2f: {  	s0 =	simm.s32 @!p0 $0x2  }
0x30: {  	_ =	swait.ge @!p0 [sflag:s0], s1  }
0x31: {  	s1 =	ssub.s32 @!p0 $0x0, s1;
	[sflag:s0] =	ssyncset.done @!p0 $0x0  }
0x32: {  	[sflag:s0] =	ssyncadd.s32 @!p0 s1  }
0x33: {  	[bflag:$0x3] =	sbarrier.arrive $0xFFFF  }
0x34: {  	_ =	shalt  }

</sc_bundles>
